<compile_context>
chip_gen: v7x
topology: tpu7x:2x2x1
jax: 0.10.2.dev20260603
libtpu: 0.0.44.dev20260713+nightly
codegen_flags: <defaults>
</compile_context>

<pallas_src>
import functools

import jax
import jax.numpy as jnp
from jax import lax
from jax.experimental import pallas as pl
from jax.experimental.pallas import tpu as pltpu
from jax.experimental.pallas import tpu_sc as plsc

D_MODEL = 1024
NUM_CORES = 2
NUM_SUBCORES = 16
NUM_WORKERS = NUM_CORES * NUM_SUBCORES
CHUNK = 16


def _make_emb_kernel(n_tokens: int):
    tokens_per_worker = n_tokens // NUM_WORKERS
    n_chunks = tokens_per_worker // CHUNK

    mesh = plsc.VectorSubcoreMesh(
        core_axis_name="c", subcore_axis_name="s"
    )

    @functools.partial(
        pl.kernel,
        mesh=mesh,
        out_type=jax.ShapeDtypeStruct((n_tokens, D_MODEL), jnp.float32),
        scratch_types=[
            pltpu.VMEM_SHARED((NUM_SUBCORES, CHUNK, D_MODEL), jnp.float32),
            [pltpu.SemaphoreType.DMA for _ in range(2)],
        ],
    )
    def emb(tokens_hbm, table_hbm, out_hbm, shared, sems):
        wid = lax.axis_index("s") * NUM_CORES + lax.axis_index("c")
        sid = lax.axis_index("s")
        base = wid * tokens_per_worker

        def store(j, b):
            pltpu.async_copy(
                shared.at[sid],
                out_hbm.at[pl.ds(base + j * CHUNK, CHUNK)],
                sems[b],
            )

        def store_wait(b):
            pltpu.make_async_copy(
                shared.at[sid],
                out_hbm.at[pl.ds(base, CHUNK)],
                sems[b],
            ).wait()

        store(0, 0)
        store(1, 1)

        def body(i, carry):
            store_wait(0)
            store(2 * i + 2, 0)
            store_wait(1)
            store(2 * i + 3, 1)
            return carry

        lax.fori_loop(0, n_chunks // 2 - 1, body, 0, unroll=False)
        store_wait(0)
        store_wait(1)

    return emb


def kernel(tokens, W_E):
    batch, seq_len = tokens.shape
    n_tokens = batch * seq_len
    tokens_per_worker = n_tokens // NUM_WORKERS
    n_chunks = tokens_per_worker // CHUNK
    tok3 = tokens.reshape(NUM_WORKERS, n_chunks, CHUNK).astype(jnp.int32)
    out = _make_emb_kernel(n_tokens)(tok3, W_E)
    return out.reshape(batch, seq_len, W_E.shape[1])

# --- scband reference (transcript-rebuilt; emitter-appended) ---
"""Pipeline reference for scband-embedding-18253611008516 (READ-ONLY COPY).

The authoritative reference and input builder live on the scoring server;
editing this copy changes nothing except your own understanding.
"""

import jax, jax.numpy as jnp
import numpy as np

D_VOCAB = 100000
D_MODEL = 1024
INIT_RANGE = 0.02
BATCH = 4
SEQ_LEN = 4096


def setup_inputs(seed: int = 0) -> dict:
    key = jax.random.key(seed)
    k_tok, k_w = jax.random.split(key)
    tokens = jax.random.randint(k_tok, (BATCH, SEQ_LEN), 0, D_VOCAB, dtype=jnp.int64 if jax.config.jax_enable_x64 else jnp.int32)
    W_E = jax.random.normal(k_w, (D_VOCAB, D_MODEL), dtype=jnp.float32) * INIT_RANGE
    return {"tokens": tokens, "W_E": W_E}


def reference(tokens, W_E):
    # Faithful translation of: return self.W_E[tokens]
    return jnp.take(W_E, tokens, axis=0)

if __name__ == "__main__":
    import jax
    _d = setup_inputs()
    print(jax.jit(kernel)(*tuple(_d.values())))

</pallas_src>

<mosaic_0001>
#map = affine_map<(d0, d1) -> (0, 0, 0)>
#map1 = affine_map<(d0, d1) -> (0, 0)>
module attributes {stable_mosaic.version = 14 : i64} {
  func.func @emb(%arg0: i32, %arg1: i32, %arg2: memref<32x32x16xi32, #tpu.memory_space<hbm>>, %arg3: memref<100000x1024xf32, #tpu.memory_space<hbm>>, %arg4: memref<16384x1024xf32, #tpu.memory_space<hbm>>, %arg5: memref<16x16x1024xf32, #tpu.memory_space<vmem_shared>>, %arg6: memref<!tpu.dma_semaphore, #tpu.memory_space<semaphore_mem>>, %arg7: memref<!tpu.dma_semaphore, #tpu.memory_space<semaphore_mem>>) attributes {dimension_semantics = [#tpu.dimension_semantics<core_parallel>, #tpu.dimension_semantics<subcore_parallel>], iteration_bounds = array<i64: 2, 16>, scalar_prefetch = 0 : i64, scratch_operands = 3 : i64, tpu.core_type = #tpu.core_type<sc_vector_subcore>, window_params = [{transform_indices = #map}, {transform_indices = #map1}, {transform_indices = #map1}]} {
    %mul3A = arith.constant 2 : i32
    %mul3A_0 = arith.muli %arg1, %mul3A : i32
    %add3A = arith.addi %mul3A_0, %arg0 : i32
    %mul3A_1 = arith.constant 512 : i32
    %mul3A_2 = arith.muli %add3A, %mul3A_1 : i32
    %add3A_3 = arith.constant 0 : i32
    %add3A_4 = arith.addi %mul3A_2, %add3A_3 : i32
    %dma_start3A = arith.constant 0 : i32
    %dma_start3A_5 = tpu.memref_slice %arg4[%add3A_4, %dma_start3A] : memref<16384x1024xf32, #tpu.memory_space<hbm>> -> memref<16x1024xf32, #tpu.memory_space<hbm>>
    %dma_start3A_6 = arith.constant 0 : i32
    %dma_start3A_7 = arith.constant 0 : i32
    %dma_start3A_8 = tpu.memref_slice %arg5[%arg1, %dma_start3A_6, %dma_start3A_7] : memref<16x16x1024xf32, #tpu.memory_space<vmem_shared>> -> memref<1x16x1024xf32, #tpu.memory_space<vmem_shared>>
    %dma_start3A_9 = tpu.memref_squeeze %dma_start3A_8 : memref<1x16x1024xf32, #tpu.memory_space<vmem_shared>> -> memref<16x1024xf32, #tpu.memory_space<vmem_shared>>
    tpu.enqueue_dma source(%dma_start3A_9 : memref<16x1024xf32, #tpu.memory_space<vmem_shared>>) target(%dma_start3A_5 : memref<16x1024xf32, #tpu.memory_space<hbm>>) target_semaphore(%arg6 : memref<!tpu.dma_semaphore, #tpu.memory_space<semaphore_mem>>)
    %add3A_10 = arith.constant 16 : i32
    %add3A_11 = arith.addi %mul3A_2, %add3A_10 : i32
    %dma_start3A_12 = arith.constant 0 : i32
    %dma_start3A_13 = tpu.memref_slice %arg4[%add3A_11, %dma_start3A_12] : memref<16384x1024xf32, #tpu.memory_space<hbm>> -> memref<16x1024xf32, #tpu.memory_space<hbm>>
    %dma_start3A_14 = arith.constant 0 : i32
    %dma_start3A_15 = arith.constant 0 : i32
    %dma_start3A_16 = tpu.memref_slice %arg5[%arg1, %dma_start3A_14, %dma_start3A_15] : memref<16x16x1024xf32, #tpu.memory_space<vmem_shared>> -> memref<1x16x1024xf32, #tpu.memory_space<vmem_shared>>
    %dma_start3A_17 = tpu.memref_squeeze %dma_start3A_16 : memref<1x16x1024xf32, #tpu.memory_space<vmem_shared>> -> memref<16x1024xf32, #tpu.memory_space<vmem_shared>>
    tpu.enqueue_dma source(%dma_start3A_17 : memref<16x1024xf32, #tpu.memory_space<vmem_shared>>) target(%dma_start3A_13 : memref<16x1024xf32, #tpu.memory_space<hbm>>) target_semaphore(%arg7 : memref<!tpu.dma_semaphore, #tpu.memory_space<semaphore_mem>>)
    %scan3A = arith.constant 0 : i32
    %scan3A_18 = arith.constant 0 : i32
    %scan3A_19 = arith.constant 15 : i32
    %scan3A_20 = arith.addi %scan3A_18, %scan3A_19 : i32
    %scan3A_21 = arith.constant 1 : i32
    scf.for %scan3A_34 = %scan3A_18 to %scan3A_20 step %scan3A_21  : i32 {
      %dma_wait3A_35 = arith.constant 0 : i32
      %dma_wait3A_36 = tpu.memref_slice %arg4[%mul3A_2, %dma_wait3A_35] : memref<16384x1024xf32, #tpu.memory_space<hbm>> -> memref<16x1024xf32, #tpu.memory_space<hbm>>
      %dma_wait3A_37 = arith.constant 0 : i32
      %dma_wait3A_38 = arith.constant 0 : i32
      %dma_wait3A_39 = tpu.memref_slice %arg5[%arg1, %dma_wait3A_37, %dma_wait3A_38] : memref<16x16x1024xf32, #tpu.memory_space<vmem_shared>> -> memref<1x16x1024xf32, #tpu.memory_space<vmem_shared>>
      %dma_wait3A_40 = tpu.memref_squeeze %dma_wait3A_39 : memref<1x16x1024xf32, #tpu.memory_space<vmem_shared>> -> memref<16x1024xf32, #tpu.memory_space<vmem_shared>>
      tpu.wait_dma2 semaphore(%arg6 : memref<!tpu.dma_semaphore, #tpu.memory_space<semaphore_mem>>) src(%dma_wait3A_40 : memref<16x1024xf32, #tpu.memory_space<vmem_shared>>) dst(%dma_wait3A_36 : memref<16x1024xf32, #tpu.memory_space<hbm>>)
      %mul3A_41 = arith.constant 2 : i32
      %mul3A_42 = arith.muli %mul3A_41, %scan3A_34 : i32
      %add3A_43 = arith.constant 2 : i32
      %add3A_44 = arith.addi %mul3A_42, %add3A_43 : i32
      %mul3A_45 = arith.constant 16 : i32
      %mul3A_46 = arith.muli %add3A_44, %mul3A_45 : i32
      %add3A_47 = arith.addi %mul3A_2, %mul3A_46 : i32
      %dma_start3A_48 = arith.constant 0 : i32
      %dma_start3A_49 = tpu.memref_slice %arg4[%add3A_47, %dma_start3A_48] : memref<16384x1024xf32, #tpu.memory_space<hbm>> -> memref<16x1024xf32, #tpu.memory_space<hbm>>
      %dma_start3A_50 = arith.constant 0 : i32
      %dma_start3A_51 = arith.constant 0 : i32
      %dma_start3A_52 = tpu.memref_slice %arg5[%arg1, %dma_start3A_50, %dma_start3A_51] : memref<16x16x1024xf32, #tpu.memory_space<vmem_shared>> -> memref<1x16x1024xf32, #tpu.memory_space<vmem_shared>>
      %dma_start3A_53 = tpu.memref_squeeze %dma_start3A_52 : memref<1x16x1024xf32, #tpu.memory_space<vmem_shared>> -> memref<16x1024xf32, #tpu.memory_space<vmem_shared>>
      tpu.enqueue_dma source(%dma_start3A_53 : memref<16x1024xf32, #tpu.memory_space<vmem_shared>>) target(%dma_start3A_49 : memref<16x1024xf32, #tpu.memory_space<hbm>>) target_semaphore(%arg6 : memref<!tpu.dma_semaphore, #tpu.memory_space<semaphore_mem>>)
      %dma_wait3A_54 = arith.constant 0 : i32
      %dma_wait3A_55 = tpu.memref_slice %arg4[%mul3A_2, %dma_wait3A_54] : memref<16384x1024xf32, #tpu.memory_space<hbm>> -> memref<16x1024xf32, #tpu.memory_space<hbm>>
      %dma_wait3A_56 = arith.constant 0 : i32
      %dma_wait3A_57 = arith.constant 0 : i32
      %dma_wait3A_58 = tpu.memref_slice %arg5[%arg1, %dma_wait3A_56, %dma_wait3A_57] : memref<16x16x1024xf32, #tpu.memory_space<vmem_shared>> -> memref<1x16x1024xf32, #tpu.memory_space<vmem_shared>>
      %dma_wait3A_59 = tpu.memref_squeeze %dma_wait3A_58 : memref<1x16x1024xf32, #tpu.memory_space<vmem_shared>> -> memref<16x1024xf32, #tpu.memory_space<vmem_shared>>
      tpu.wait_dma2 semaphore(%arg7 : memref<!tpu.dma_semaphore, #tpu.memory_space<semaphore_mem>>) src(%dma_wait3A_59 : memref<16x1024xf32, #tpu.memory_space<vmem_shared>>) dst(%dma_wait3A_55 : memref<16x1024xf32, #tpu.memory_space<hbm>>)
      %mul3A_60 = arith.constant 2 : i32
      %mul3A_61 = arith.muli %mul3A_60, %scan3A_34 : i32
      %add3A_62 = arith.constant 3 : i32
      %add3A_63 = arith.addi %mul3A_61, %add3A_62 : i32
      %mul3A_64 = arith.constant 16 : i32
      %mul3A_65 = arith.muli %add3A_63, %mul3A_64 : i32
      %add3A_66 = arith.addi %mul3A_2, %mul3A_65 : i32
      %dma_start3A_67 = arith.constant 0 : i32
      %dma_start3A_68 = tpu.memref_slice %arg4[%add3A_66, %dma_start3A_67] : memref<16384x1024xf32, #tpu.memory_space<hbm>> -> memref<16x1024xf32, #tpu.memory_space<hbm>>
      %dma_start3A_69 = arith.constant 0 : i32
      %dma_start3A_70 = arith.constant 0 : i32
      %dma_start3A_71 = tpu.memref_slice %arg5[%arg1, %dma_start3A_69, %dma_start3A_70] : memref<16x16x1024xf32, #tpu.memory_space<vmem_shared>> -> memref<1x16x1024xf32, #tpu.memory_space<vmem_shared>>
      %dma_start3A_72 = tpu.memref_squeeze %dma_start3A_71 : memref<1x16x1024xf32, #tpu.memory_space<vmem_shared>> -> memref<16x1024xf32, #tpu.memory_space<vmem_shared>>
      tpu.enqueue_dma source(%dma_start3A_72 : memref<16x1024xf32, #tpu.memory_space<vmem_shared>>) target(%dma_start3A_68 : memref<16x1024xf32, #tpu.memory_space<hbm>>) target_semaphore(%arg7 : memref<!tpu.dma_semaphore, #tpu.memory_space<semaphore_mem>>)
    }
    %scan3A_22 = arith.constant 15 : i32
    %dma_wait3A = arith.constant 0 : i32
    %dma_wait3A_23 = tpu.memref_slice %arg4[%mul3A_2, %dma_wait3A] : memref<16384x1024xf32, #tpu.memory_space<hbm>> -> memref<16x1024xf32, #tpu.memory_space<hbm>>
    %dma_wait3A_24 = arith.constant 0 : i32
    %dma_wait3A_25 = arith.constant 0 : i32
    %dma_wait3A_26 = tpu.memref_slice %arg5[%arg1, %dma_wait3A_24, %dma_wait3A_25] : memref<16x16x1024xf32, #tpu.memory_space<vmem_shared>> -> memref<1x16x1024xf32, #tpu.memory_space<vmem_shared>>
    %dma_wait3A_27 = tpu.memref_squeeze %dma_wait3A_26 : memref<1x16x1024xf32, #tpu.memory_space<vmem_shared>> -> memref<16x1024xf32, #tpu.memory_space<vmem_shared>>
    tpu.wait_dma2 semaphore(%arg6 : memref<!tpu.dma_semaphore, #tpu.memory_space<semaphore_mem>>) src(%dma_wait3A_27 : memref<16x1024xf32, #tpu.memory_space<vmem_shared>>) dst(%dma_wait3A_23 : memref<16x1024xf32, #tpu.memory_space<hbm>>)
    %dma_wait3A_28 = arith.constant 0 : i32
    %dma_wait3A_29 = tpu.memref_slice %arg4[%mul3A_2, %dma_wait3A_28] : memref<16384x1024xf32, #tpu.memory_space<hbm>> -> memref<16x1024xf32, #tpu.memory_space<hbm>>
    %dma_wait3A_30 = arith.constant 0 : i32
    %dma_wait3A_31 = arith.constant 0 : i32
    %dma_wait3A_32 = tpu.memref_slice %arg5[%arg1, %dma_wait3A_30, %dma_wait3A_31] : memref<16x16x1024xf32, #tpu.memory_space<vmem_shared>> -> memref<1x16x1024xf32, #tpu.memory_space<vmem_shared>>
    %dma_wait3A_33 = tpu.memref_squeeze %dma_wait3A_32 : memref<1x16x1024xf32, #tpu.memory_space<vmem_shared>> -> memref<16x1024xf32, #tpu.memory_space<vmem_shared>>
    tpu.wait_dma2 semaphore(%arg7 : memref<!tpu.dma_semaphore, #tpu.memory_space<semaphore_mem>>) src(%dma_wait3A_33 : memref<16x1024xf32, #tpu.memory_space<vmem_shared>>) dst(%dma_wait3A_29 : memref<16x1024xf32, #tpu.memory_space<hbm>>)
    return
  }
}

</mosaic_0001>

<sc_bundles>
// kernel: kernel.3.cloned.1.call-start
scs
__scs_entry_jumppad:
0x0: {  	(pc) =	sbr.rel $0x88, $3  }
0x1: {  	(tag) =	ssettag $0x0;
	lr =	simm.s32 $0x1  }
0x2: {  	[smem:$0x3F9F] =	sst lr;
	_ =	strace $0xD0000000  }
0x3: {  	_ = 	snop  }
0x4: {  	_ = 	snop  }
0x5: {  	_ = 	snop  }
0x6: {  	_ = 	snop  }
0x7: {  	_ = 	snop  }
__scs_overlays_trampoline_lowered:
0x8: {  	[smem:$0x3FAE] =	sst s0  }
0x9: {  	[smem:$0x3FAF] =	sst s1  }
0xa: {  	[smem:$0x3FB0] =	sst s2  }
0xb: {  	[smem:$0x3FB1] =	sst s3  }
0xc: {  	[smem:$0x3FB2] =	sst s4  }
0xd: {  	[smem:$0x3FB3] =	sst s5  }
0xe: {  	[smem:$0x3FB4] =	sst s6  }
0xf: {  	[smem:$0x3FB5] =	sst s7  }
0x10: {  	[smem:$0x3FB6] =	sst s8  }
0x11: {  	[smem:$0x3FB7] =	sst s9;
	s0 =	simm.s32 @!p0 $0x0  }
0x12: {  	s1 =	sld [smem:$0x3F9D];
	s0 =	simm.s32 @p0 $0x1  }
0x13: {  	[smem:$0x3FB8] =	sst s0;
	s0 =	simm.s32 @!p1 $0x0  }
0x14: {  	s2 =	sld [smem:$0x3F9C];
	s0 =	simm.s32 @p1 $0x1  }
0x15: {  	[smem:$0x3FB9] =	sst s0;
	s0 =	simm.s32 @!p2 $0x0  }
0x16: {  	s3 =	sld [smem:$0x3FDB];
	s0 =	simm.s32 @p2 $0x1  }
0x17: {  	s4 =	simm.s32 $0x1BF5;
	[smem:$0x3FBB] =	sst s0  }
0x18: {  	s0 =	sld [smem:$0x3F9E];
	_ =	swait.ge [sflag:s4], $0x0  }
0x19: {  	s7 =	sld [smem:$0x3F9F]  }
0x1a: {  	s8 =	sadd.s32 $0xFFFFE003, lr  }
0x1b: {  	s9 =	sadd.s32 $0xFFFFFEF7, lr;
	s5 =	simm.s32 $0xFFFFFFFF;
	p2 =	slt.u32 s8, $0xFFFFF086  }
0x1c: {  	p1 =	slt.u32 s9, $0xF7A;
	s5 =	simm.s32 @!p2 $0x0  }
0x1d: {  	s5 =	simm.s32 @p1 $0x1;
	p0 =	seq.s32 s7, s2  }
0x1e: {  	s7 =	smul.u32 @!p0 $0xF7A, s2;
	p2 =	seq.s32 @!p0 s5, $0x0  }
0x1f: {  	s9 =	smul.u32 $0xF7A, s1;
	s8 =	simm.s32 @!p0 $0x1BF5;
	p2 =	por !p2, p0  }
0x20: {  	[sflag:s8] =	ssyncset.s32 @!p0 $0xFFFFF086;
	s6 =	sadd.s32 @!p0 s3, s7;
	s7 =	simm.s32 @!p0 $0x108  }
0x21: {  	s3 =	sadd.s32 s3, s9;
	s6 =	sadd.s32 @!p0 $0x88, s6;
	s7 =	simm.s32 @p2 $0x1082  }
0x22: {  	[simem:s7], [sflag:s8] =	dma.local @!p0 [hbm:s6], $0xF7A  }
0x23: {  	s9 =	sor.u32 $0xD0000000, s2;
	s6 =	simm.s32 $0x108;
	_ =	swait.ge @!p0 [sflag:s8], $0x0  }
0x24: {  	s3 =	sadd.s32 $0x88, s3;
	s6 =	simm.s32 @!p1 $0x1082;
	[sflag:s4] =	ssyncset.s32 $0xFFFFF086  }
0x25: {  	[simem:s6], [sflag:s4] =	dma.local [hbm:s3], $0xF7A  }
0x26: {  	[smem:$0x3F9F] =	sst s1;
	(tag) =	ssettag s2;
	_ =	strace s9  }
0x27: {  	s1 =	sld [smem:$0x3FAF]  }
0x28: {  	s2 =	sld [smem:$0x3FB0]  }
0x29: {  	s4 =	sld [smem:$0x3FB2]  }
0x2a: {  	p0 =	seq.s32 s5, $0x0;
	s5 =	sld [smem:$0x3FB3]  }
0x2b: {  	s6 =	sld [smem:$0x3FB4]  }
0x2c: {  	s7 =	sld [smem:$0x3FB5]  }
0x2d: {  	s3 =	simm.s32 $0x108;
	s8 =	sld [smem:$0x3FB6]  }
0x2e: {  	s3 =	simm.s32 @!p0 $0x1082;
	s9 =	sld [smem:$0x3FB7]  }
0x2f: {  	lr =	sadd.s32 s0, s3;
	s0 =	sld [smem:$0x3FAE]  }
0x30: {  	s3 =	sld [smem:$0x3FB1]  }
0x31: {  	[smem:$0x3FBA] =	sst s10  }
0x32: {  	s10 =	sld [smem:$0x3FB8];
	_ =	sdelay $0x3  }
0x33: {  	p0 =	seq.s32 s10, $0x1;
	s10 =	sld [smem:$0x3FBA];
	_ =	sdelay $0x3  }
0x34: {  	[smem:$0x3FBA] =	sst s10  }
0x35: {  	s10 =	sld [smem:$0x3FB9];
	_ =	sdelay $0x3  }
0x36: {  	p1 =	seq.s32 s10, $0x1;
	s10 =	sld [smem:$0x3FBA];
	_ =	sdelay $0x3  }
0x37: {  	[smem:$0x3FBA] =	sst s10  }
0x38: {  	s10 =	sld [smem:$0x3FBB]  }
0x39: {  	_ = 	snop;
	(pc) =	sbr.ind lr, $3  }
0x3a: {  	_ = 	snop  }
0x3b: {  	_ = 	snop  }
0x3c: {  	p2 =	seq.s32 s10, $0x1;
	s10 =	sld [smem:$0x3FBA]  }
0x3d: {  	_ =	shalt  }
0x3e: {  	_ =	shalt  }
0x3f: {  	_ =	shalt  }
0x40: {  	_ =	shalt  }
0x41: {  	_ =	shalt  }
0x42: {  	_ =	shalt  }
0x43: {  	_ =	shalt  }
0x44: {  	_ =	shalt  }
0x45: {  	_ =	shalt  }
0x46: {  	_ =	shalt  }
0x47: {  	_ =	shalt  }
0x48: {  	_ =	shalt  }
0x49: {  	_ =	shalt  }
0x4a: {  	_ =	shalt  }
0x4b: {  	_ =	shalt  }
0x4c: {  	_ =	shalt  }
0x4d: {  	_ =	shalt  }
0x4e: {  	_ =	shalt  }
0x4f: {  	_ =	shalt  }
0x50: {  	_ =	shalt  }
0x51: {  	_ =	shalt  }
0x52: {  	_ =	shalt  }
0x53: {  	_ =	shalt  }
0x54: {  	_ =	shalt  }
0x55: {  	_ =	shalt  }
0x56: {  	_ =	shalt  }
0x57: {  	_ =	shalt  }
0x58: {  	_ =	shalt  }
0x59: {  	_ =	shalt  }
0x5a: {  	_ =	shalt  }
0x5b: {  	_ =	shalt  }
0x5c: {  	_ =	shalt  }
0x5d: {  	_ =	shalt  }
0x5e: {  	_ =	shalt  }
0x5f: {  	_ =	shalt  }
0x60: {  	_ =	shalt  }
0x61: {  	_ =	shalt  }
0x62: {  	_ =	shalt  }
0x63: {  	_ =	shalt  }
0x64: {  	_ =	shalt  }
0x65: {  	_ =	shalt  }
0x66: {  	_ =	shalt  }
0x67: {  	_ =	shalt  }
0x68: {  	_ =	shalt  }
0x69: {  	_ =	shalt  }
0x6a: {  	_ =	shalt  }
0x6b: {  	_ =	shalt  }
0x6c: {  	_ =	shalt  }
0x6d: {  	_ =	shalt  }
0x6e: {  	_ =	shalt  }
0x6f: {  	_ =	shalt  }
0x70: {  	_ =	shalt  }
0x71: {  	_ =	shalt  }
0x72: {  	_ =	shalt  }
0x73: {  	_ =	shalt  }
0x74: {  	_ =	shalt  }
0x75: {  	_ =	shalt  }
0x76: {  	_ =	shalt  }
0x77: {  	_ =	shalt  }
0x78: {  	_ =	shalt  }
0x79: {  	_ =	shalt  }
0x7a: {  	_ =	shalt  }
0x7b: {  	_ =	shalt  }
0x7c: {  	_ =	shalt  }
0x7d: {  	_ =	shalt  }
0x7e: {  	_ =	shalt  }
0x7f: {  	_ =	shalt  }
0x80: {  	_ =	shalt  }
0x81: {  	_ =	shalt  }
0x82: {  	_ =	shalt  }
0x83: {  	_ =	shalt  }
0x84: {  	_ =	shalt  }
0x85: {  	_ =	shalt  }
0x86: {  	_ =	shalt  }
0x87: {  	_ =	shalt  }
.Lfunc_end0:
.L_simem_size_0:
called_computation_lowered:
.L_overlay_start_0:
0x88: {  	s2 =	sld [smem:$0x3FD9]  }
0x89: {  	s3 =	sld [smem:$0x3FFE];
	_ =	sdelay $0x1  }
0x8a: {  	s1 =	srdreg.scid  }
0x8b: {  	s0 =	sand.u32 $0x1, s1  }
0x8c: {  	s18 =	sshll.u32 s0, $0xA;
	s2 =	sadd.s32 s3, s2  }
0x8d: {  	s2 =	sadd.s32 s2, s18  }
0x8e: {  	[smem:$0x3FC6] =	sst s2  }
0x8f: {  	_ = 	snop  }
0x90: {  	s2 =	sld [smem:$0x3FD0];
	(tm) =	ssettm $0x1  }
0x91: {  	s19 =	sld [smem:$0x3FFB];
	_ =	sdelay $0x3  }
0x92: {  	_ =	strace s19  }
0x93: {  	s3 =	sld [smem:$0x3FFC];
	_ =	sdelay $0x3  }
0x94: {  	_ =	strace s3  }
0x95: {  	s3 =	sld [smem:$0x3FFD];
	_ =	sdelay $0x3  }
0x96: {  	_ =	strace s3  }
0x97: {  	_ =	strace $0x8FFFFFFF  }
0x98: {  	s20 =	sld [smem:$0x3FDB];
	_ =	sdelay $0x1  }
0x99: {  	s4 =	simm.s32 $_scs_section_size  }
0x9a: {  	s5 =	simm.s32 $_size__tile_overlayer_lowered;
	s6 =	simm.s32 $_tile_overlayer_lowered  }
0x9b: {  	s23 =	simm.s32 $0x1BFF;
	s22 =	sshll.u32 s6, $0x1;
	s3 =	sadd.s32 s4, s20  }
0x9c: {  	s7 =	simm.s32 $0x0;
	s21 =	sshll.u32 s5, $0x1;
	s5 =	sadd.s32 s22, s3  }
0x9d: {  	[timem:s7], [sflag:s23] =	dma.local [hbm:s5], s21  }
0x9e: {  	_ =	swait.ge [sflag:s23], s21  }
0x9f: {  	s4 =	ssub.s32 $0x0, s21;
	[sflag:s23] =	ssyncset.done $0x0  }
0xa0: {  	[sflag:s23] =	ssyncadd.s32 s4;
	_ =	sdelay $0x1  }
0xa1: {  	s24 =	simm.s32 $0x1B8B  }
0xa2: {  	_ =	swait.ge [sflag:s24], $0x1  }
0xa3: {  	[sflag:s24] =	ssyncset.done $0x0  }
0xa4: {  	s25 =	simm.s32 $0x1B8E;
	[sflag:s24] =	ssyncadd.s32 $0xFFFFFFFF  }
0xa5: {  	s26 =	simm.s32 $execute0_lowered;
	[smem:$0x3FD2] =	sst s25  }
0xa6: {  	s4 =	sshll.u32 s26, $0x1;
	_ =	strace $0x80000046;
	[dreg:$0x1] =	wrdreg $0xFFFFFFFF  }
0xa7: {  	s28 =	simm.s32 $_size_execute0_lowered;
	s3 =	sadd.s32 s3, s4;
	[dreg:$0x0] =	wrdreg $0x0  }
0xa8: {  	s4 =	sshll.u32 s28, $0x1;
	[dreg:$0x2] =	wrdreg s3  }
0xa9: {  	[dreg:$0x3] =	wrdreg s4  }
0xaa: {  	[dreg:$0x4] =	wrdreg $0xC0  }
0xab: {  	_ =	task [dreg:s7], $0x5FFFF  }
0xac: {  	[dreg:$0x1] =	wrdreg $0xFFFFFFFF  }
0xad: {  	[dreg:$0x0] =	wrdreg $0x60  }
0xae: {  	[dreg:$0x2] =	wrdreg s2  }
0xaf: {  	[dreg:$0x3] =	wrdreg $0x0  }
0xb0: {  	[dreg:$0x4] =	wrdreg $0x9  }
0xb1: {  	_ =	task.clear_ibuf [dreg:s7], $0x5FFFF;
	_ =	strace $0x90000046  }
0xb2: {  	s29 =	simm.s32 $0x9;
	_ =	strace $0x80000048  }
0xb3: {  	_ =	swait.ge [sflag:s29], $0x1  }
0xb4: {  	[sflag:s29] =	ssyncadd.s32 $0xFFFFFFFF  }
0xb5: {  	_ =	strace $0x90000048  }
0xb6: {  	_ =	sfence  }
0xb7: {  	s30 =	sld [smem:$0x0];
	_ =	sdelay $0x2  }
0xb8: {  	s31 =	sshll.u32 s1, $0xD;
	s1 =	sshrl.u32 s1, $0x2  }
0xb9: {  	s3 =	sand.u32 $0x4000, s31;
	s1 =	sadd.s32 s1, s30  }
0xba: {  	s0 =	sor.u32 s3, s0;
	s1 =	sshll.u32 s1, $0x11  }
0xbb: {  	s0 =	sor.u32 s1, s0  }
0xbc: {  	s0 =	sadd.s32 $0x8F2B, s0  }
0xbd: {  	[sflag:s0] =	ssyncadd.remote.s32 $0x1  }
0xbe: {  	_ =	sfence.sel $0xFFFF  }
0xbf: {  	[dreg:$0x0] =	wrdreg $0xFFFFFFFF;
	(pc) =	sbr.abs _section_cstart, $3  }
0xc0: {  	[dreg:$0x1] =	wrdreg $0xFFFFFFFF  }
0xc1: {  	_ =	task.clear_ibuf [dreg:s7], $0x2FFFF;
	_ =	strace $0x9FFFFFFF  }
0xc2: {  	(tm) =	ssettm $0x7FFFFFFF  }
0xc3: {  	_ =	shalt  }
tec
execute0_lowered:
.L_overlay_start_1:
0x0: {  	(tag) =	ssettag $0x1  }
0x1: {  	s6 =	rddreg [dreg:$0x0]  }
0x2: {  	s3 =	rddreg [dreg:$0x1]  }
0x3: {  	s0 =	rddreg [dreg:$0x2];
	s1 =	simm.s32 $0x0;
	s2 =	srdreg.scid  }
0x4: {  	[smem:$0x7FF] =	sst s1;
	s4 =	sand.u32 $0x1, s2  }
0x5: {  	s2 =	stileid.u32;
	_ =	strace $0x80000047;
	s5 =	ssub.s32 $0x2, s4  }
0x6: {  	s8 =	sshll.u32 s2, $0x11;
	s9 =	sshll.u32 s4, $0x10;
	s30 =	sshll.u32 s2, $0xE  }
0x7: {  	s11 =	sshll.u32 s2, $0x6;
	s7 =	sshrl.u32 s5, $0x1;
	s31 =	sor.u32 s9, s8  }
0x8: {  	s10 =	sadd.s32 s30, s3;
	s4 =	sor.u32 $0x1C01, s11;
	s3 =	sadd.s32 s6, s31  }
0x9: {  	s8 =	sadd.s32 s8, s6;
	s7 =	ssub.s32 s5, s7;
	s5 =	sadd.s32 $0x800, s3  }
0xa: {  	s6 =	smax.u32 s7, $0x1;
	s7 =	sadd.s32 s9, s8;
	s8 =	sshrl.u32 s10, $0x3  }
0xb: {  	s9 =	sor.u32 $0x1C02, s11;
	s10 =	simm.s32 $0x1;
	s11 =	simm.s32 $0x2  }
.LBB2_1:
0xc: {  	[hbm:s3], [sflag:s4] =	dma.local [spmem:s8], $0x800  }
0xd: {  	[hbm:s5], [sflag:s9] =	dma.local [spmem:s8], $0x800  }
0xe: {  	_ =	swait.ge [sflag:s10], $0x800  }
0xf: {  	s13 =	sadd.s32 $0xFFFF1000, s7;
	[sflag:s10] =	ssyncset.done $0x0  }
0x10: {  	s12 =	sadd.s32 $0x10000, s13;
	[sflag:s10] =	ssyncadd.s32 $0xFFFFF800  }
0x11: {  	[hbm:s12], [sflag:s4] =	dma.local [spmem:s8], $0x800  }
0x12: {  	_ =	swait.ge [sflag:s11], $0x800  }
0x13: {  	[sflag:s11] =	ssyncset.done $0x0  }
0x14: {  	s13 =	sadd.s32 $0x10800, s13;
	s12 =	simm.s32 $0xFFFF2000;
	[sflag:s11] =	ssyncadd.s32 $0xFFFFF800  }
.LBB2_2:
0x15: {  	[hbm:s13], [sflag:s9] =	dma.local [spmem:s8], $0x800  }
0x16: {  	s13 =	smov.u32 s12  }
0x17: {  	p0 =	sne.s32 s12, $0xFFFFF000;
	s12 =	sadd.s32 $0x1000, s12;
	_ =	swait.ge [sflag:s10], $0x800  }
0x18: {  	s13 =	sadd.s32 s13, s7;
	[sflag:s10] =	ssyncset.done $0x0  }
.Ltmp0:
0x19: {  	s14 =	sadd.s32 $0x10000, s13;
	[sflag:s10] =	ssyncadd.s32 $0xFFFFF800;
	(pc) =	sbr.rel @p0 .LBB2_2-.Ltmp0, $4  }
0x1a: {  	[hbm:s14], [sflag:s4] =	dma.local [spmem:s8], $0x800  }
0x1b: {  	_ =	swait.ge [sflag:s11], $0x800  }
0x1c: {  	[sflag:s11] =	ssyncset.done $0x0  }
0x1d: {  	s13 =	sadd.s32 $0x10800, s13;
	[sflag:s11] =	ssyncadd.s32 $0xFFFFF800  }
0x1e: {  	[hbm:s13], [sflag:s9] =	dma.local [spmem:s8], $0x800  }
0x1f: {  	s1 =	sadd.s32 $0x1, s1  }
0x20: {  	_ =	swait.ge [sflag:s10], $0x800;
	p0 =	sne.s32 s1, s6  }
.Ltmp1:
0x21: {  	[sflag:s10] =	ssyncset.done $0x0;
	(pc) =	sbr.rel @p0 .LBB2_1-.Ltmp1, $4  }
0x22: {  	[sflag:s10] =	ssyncadd.s32 $0xFFFFF800  }
0x23: {  	_ =	swait.ge [sflag:s11], $0x800  }
0x24: {  	[sflag:s11] =	ssyncset.done $0x0  }
0x25: {  	[sflag:s11] =	ssyncadd.s32 $0xFFFFF800  }
0x26: {  	_ =	sfence.sel $0x180000  }
0x27: {  	[bflag:$0x0] =	sbarrier.arrive $0xFFFF  }
0x28: {  	p0 =	sne.s32 s2, $0x0;
	_ =	strace $0x90000047  }
0x29: {  	s0 =	sadd.s32 @!p0 $0x100000, s0;
	[bflag:$0x2] =	sbarrier.arrive $0xFFFF  }
0x2a: {  	[sflag:s0] =	ssyncadd.tile.s32 @!p0 $0x1;
	_ =	shalt  }
.Lfunc_end2:
_tile_overlayer_lowered:
.L_overlay_start_2:
0x2b: {  	(tag) =	ssettag $0x2  }
0x2c: {  	s0 =	rddreg [dreg:$0x0];
	s2 =	stileid.u32  }
0x2d: {  	s1 =	rddreg [dreg:$0x1];
	p0 =	sne.s32 s2, $0x0  }
0x2e: {  	s3 =	rddreg [dreg:$0x2];
	[bflag:$0x3] =	sbarrier.arrive $0xFFFF;
	s2 =	simm.s32 @!p0 $0x1C03  }
0x2f: {  	[timem:s3], [sflag:s2] =	dma.local @!p0 [hbm:s0], s1  }
0x30: {  	s0 =	simm.s32 @!p0 $0x3  }
0x31: {  	_ =	swait.ge @!p0 [sflag:s0], s1  }
0x32: {  	s1 =	ssub.s32 @!p0 $0x0, s1;
	[sflag:s0] =	ssyncset.done @!p0 $0x0  }
0x33: {  	[sflag:s0] =	ssyncadd.s32 @!p0 s1  }
0x34: {  	[bflag:$0x3] =	sbarrier.arrive $0xFFFF  }
0x35: {  	_ =	shalt  }

</sc_bundles>
